<compile_context>
chip_gen: v7x
topology: tpu7x:2x2x1
jax: 0.10.2.dev20260603
libtpu: 0.0.44.dev20260713+nightly
codegen_flags: <defaults>
</compile_context>

<pallas_src>
import jax
import jax.numpy as jnp
from jax import lax
from jax.experimental import pallas as pl
from jax.experimental.pallas import tpu as pltpu
from jax.experimental.pallas import tpu_sc as plsc

K = 1024
D = 64
N = 16384
TR = 2048
GRID_A = N // TR
TRC = 4096
GRID_C = N // TRC
NW = 32
TB = N // NW
COMMIT = 0.25


def _dist_argmin_body(a_ref, b_ref, x_ref, e_ref, idx_ref, counts_ref):
    i = pl.program_id(0)

    @pl.when(i == 0)
    def _init():
        counts_ref[...] = jnp.zeros_like(counts_ref)

    x = x_ref[...]
    e = e_ref[...]
    H = TR // 4
    for h in range(4):
        xh = x[h * H:(h + 1) * H]
        m = lax.dot_general(
            xh, e, (((1,), (1,)), ((), ())),
            precision=lax.Precision.DEFAULT,
            preferred_element_type=jnp.float32)
        ah = a_ref[...][h * H:(h + 1) * H]
        d = (ah + b_ref[...]) - 2.0 * m
        dmin = jnp.min(d, axis=1, keepdims=True)
        colsf = lax.broadcasted_iota(jnp.int32, (1, K), 1).astype(jnp.float32)
        idxf = jnp.min(jnp.where(d == dmin, colsf, float(K)), axis=1)
        idx_ref[pl.ds(h * H, H), :] = idxf[:, None].astype(jnp.int32)
        oh = jnp.where(colsf == idxf[:, None], 1.0, 0.0)
        counts_ref[...] += jnp.sum(oh, axis=0)[None, :]


def _finalize_body(q_ref, x_ref, counts_ref, loss_ref, quant_ref, perp_ref,
                   acc_ref):
    i = pl.program_id(0)

    @pl.when(i == 0)
    def _init():
        acc_ref[0, 0] = 0.0

    q = q_ref[...][:, :D]
    x = x_ref[...]
    t = q - x
    quant_ref[...] = x + t
    acc_ref[0, 0] += jnp.sum(t * t)

    @pl.when(i == GRID_C - 1)
    def _fin():
        m = acc_ref[0, 0] * (1.0 / float(N * D))
        loss_ref[...] = jnp.reshape(m + COMMIT * m, (1, 1))
        avg = counts_ref[...] * (1.0 / float(N))
        ent = jnp.sum(avg * jnp.log(avg + 1e-10))
        perp_ref[...] = jnp.reshape(jnp.exp(-ent), (1, 1))


def _sc_gather_body(tbl_hbm, idx_hbm, out_hbm, idx_v, rows_v, sem):
    c = lax.axis_index("c")
    s = lax.axis_index("s")
    wid = s * 2 + c
    pltpu.sync_copy(idx_hbm.at[wid], idx_v)
    copies = [
        pltpu.async_copy(tbl_hbm.at[idx_v.at[j]],
                         rows_v.at[pl.ds(j * 128, 128)], sem)
        for j in range(TB // 128)
    ]
    for cp in copies:
        cp.wait()
    pltpu.sync_copy(rows_v, out_hbm.at[pl.ds(wid * TB, TB)])


def kernel(inputs, embedding_weight):
    a = jnp.sum(inputs ** 2, axis=1, keepdims=True)
    b = jnp.sum(embedding_weight ** 2, axis=1).reshape(1, K)

    idx2, counts = pl.pallas_call(
        _dist_argmin_body,
        grid=(GRID_A,),
        in_specs=[
            pl.BlockSpec((TR, 1), lambda i: (i, 0)),
            pl.BlockSpec((1, K), lambda i: (0, 0)),
            pl.BlockSpec((TR, D), lambda i: (i, 0)),
            pl.BlockSpec((K, D), lambda i: (0, 0)),
        ],
        out_specs=[
            pl.BlockSpec((TR, 1), lambda i: (i, 0)),
            pl.BlockSpec((1, K), lambda i: (0, 0)),
        ],
        out_shape=[
            jax.ShapeDtypeStruct((N, 1), jnp.int32),
            jax.ShapeDtypeStruct((1, K), jnp.float32),
        ],
    )(a, b, inputs, embedding_weight)
    idx = idx2.reshape(NW, TB // 128, 128)

    tblq = embedding_weight.astype(jnp.bfloat16).astype(jnp.float32)
    tblp = jnp.concatenate(
        [tblq, jnp.zeros((K, 128 - D), jnp.float32)], axis=1)

    mesh = plsc.VectorSubcoreMesh(core_axis_name="c", subcore_axis_name="s")
    qraw = pl.kernel(
        _sc_gather_body,
        out_type=jax.ShapeDtypeStruct((N, 128), jnp.float32),
        scratch_types=[
            pltpu.VMEM((TB // 128, 128), jnp.int32),
            pltpu.VMEM((TB, 128), jnp.float32),
            pltpu.SemaphoreType.DMA,
        ],
        mesh=mesh,
    )(tblp, idx)

    loss, quantized, perp = pl.pallas_call(
        _finalize_body,
        grid=(GRID_C,),
        in_specs=[
            pl.BlockSpec((TRC, 128), lambda i: (i, 0)),
            pl.BlockSpec((TRC, D), lambda i: (i, 0)),
            pl.BlockSpec((1, K), lambda i: (0, 0)),
        ],
        out_specs=[
            pl.BlockSpec((1, 1), lambda i: (0, 0)),
            pl.BlockSpec((TRC, D), lambda i: (i, 0)),
            pl.BlockSpec((1, 1), lambda i: (0, 0)),
        ],
        out_shape=[
            jax.ShapeDtypeStruct((1, 1), jnp.float32),
            jax.ShapeDtypeStruct((N, D), jnp.float32),
            jax.ShapeDtypeStruct((1, 1), jnp.float32),
        ],
        scratch_shapes=[pltpu.SMEM((1, 1), jnp.float32)],
    )(qraw, inputs, counts)

    return (loss[0, 0], quantized, perp[0, 0])

# --- scband reference (transcript-rebuilt; emitter-appended) ---
"""Pipeline reference for scband-vqvae-52432960750061 (READ-ONLY COPY).

The authoritative reference and input builder live on the scoring server;
editing this copy changes nothing except your own understanding.
"""

import jax, jax.numpy as jnp
import numpy as np

NUM_EMBEDDINGS = 1024
EMBEDDING_DIM = 64
COMMITMENT_COST = 0.25
N_TOKENS = 16384


def setup_inputs(seed: int = 0) -> dict:
    key = jax.random.key(seed)
    k1, k2 = jax.random.split(key)
    inputs = jax.random.normal(k1, (N_TOKENS, EMBEDDING_DIM), dtype=jnp.float32)
    # embedding initialized uniform(-1/K, 1/K) like the torch module
    embedding_weight = jax.random.uniform(
        k2, (NUM_EMBEDDINGS, EMBEDDING_DIM), dtype=jnp.float32,
        minval=-1.0 / NUM_EMBEDDINGS, maxval=1.0 / NUM_EMBEDDINGS)
    return {"inputs": inputs, "embedding_weight": embedding_weight}


def reference(inputs, embedding_weight):
    # distances: ||x||^2 + ||e||^2 - 2 x e^T
    distances = (jnp.sum(inputs ** 2, axis=1, keepdims=True)
                 + jnp.sum(embedding_weight ** 2, axis=1)
                 - 2.0 * jnp.matmul(inputs, embedding_weight.T))
    encoding_indices = jnp.argmin(distances, axis=1)
    # scatter one-hot encodings (scatter-overwrite)
    n = inputs.shape[0]
    encodings = jnp.zeros((n, embedding_weight.shape[0]), dtype=inputs.dtype)
    encodings = encodings.at[jnp.arange(n), encoding_indices].set(1.0)
    quantized = jnp.matmul(encodings, embedding_weight)
    e_latent_loss = jnp.mean((jax.lax.stop_gradient(quantized) - inputs) ** 2)
    q_latent_loss = jnp.mean((quantized - jax.lax.stop_gradient(inputs)) ** 2)
    loss = q_latent_loss + COMMITMENT_COST * e_latent_loss
    # straight-through estimator
    quantized = inputs + jax.lax.stop_gradient(quantized - inputs)
    avg_probs = jnp.mean(encodings, axis=0)
    perplexity = jnp.exp(-jnp.sum(avg_probs * jnp.log(avg_probs + 1e-10)))
    return (loss, quantized, perplexity)

if __name__ == "__main__":
    import jax
    _d = setup_inputs()
    print(jax.jit(kernel)(*tuple(_d.values())))

</pallas_src>

<mosaic_0001>
#map = affine_map<(d0, d1) -> (0, 0)>
#map1 = affine_map<(d0, d1) -> (0, 0, 0)>
module attributes {stable_mosaic.version = 14 : i64} {
  func.func @_sc_gather_body(%arg0: i32, %arg1: i32, %arg2: memref<1024x128xf32, #tpu.memory_space<hbm>>, %arg3: memref<32x4x128xi32, #tpu.memory_space<hbm>>, %arg4: memref<16384x128xf32, #tpu.memory_space<hbm>>, %arg5: memref<4x128xi32, #tpu.memory_space<vmem>>, %arg6: memref<512x128xf32, #tpu.memory_space<vmem>>, %arg7: memref<!tpu.dma_semaphore, #tpu.memory_space<semaphore_mem>>) attributes {dimension_semantics = [#tpu.dimension_semantics<core_parallel>, #tpu.dimension_semantics<subcore_parallel>], iteration_bounds = array<i64: 2, 16>, scalar_prefetch = 0 : i64, scratch_operands = 3 : i64, tpu.core_type = #tpu.core_type<sc_vector_subcore>, window_params = [{transform_indices = #map}, {transform_indices = #map1}, {transform_indices = #map}]} {
    %mul3A = arith.constant 2 : i32
    %mul3A_0 = arith.muli %arg1, %mul3A : i32
    %add3A = arith.addi %mul3A_0, %arg0 : i32
    "tpu.region"() ({
      %run_scoped3A = tpu.sem_alloc : memref<!tpu.dma_semaphore, #tpu.memory_space<semaphore_mem>>
      %dma_start3A_81 = arith.constant 0 : i32
      %dma_start3A_82 = arith.constant 0 : i32
      %dma_start3A_83 = tpu.memref_slice %arg3[%add3A, %dma_start3A_81, %dma_start3A_82] : memref<32x4x128xi32, #tpu.memory_space<hbm>> -> memref<1x4x128xi32, #tpu.memory_space<hbm>>
      %dma_start3A_84 = tpu.memref_squeeze %dma_start3A_83 : memref<1x4x128xi32, #tpu.memory_space<hbm>> -> memref<4x128xi32, #tpu.memory_space<hbm>>
      %dma_start3A_85 = arith.constant 0 : i32
      %dma_start3A_86 = arith.constant 0 : i32
      %dma_start3A_87 = tpu.memref_slice %arg3[%add3A, %dma_start3A_85, %dma_start3A_86] : memref<32x4x128xi32, #tpu.memory_space<hbm>> -> memref<1x4x128xi32, #tpu.memory_space<hbm>>
      %dma_start3A_88 = tpu.memref_squeeze %dma_start3A_87 : memref<1x4x128xi32, #tpu.memory_space<hbm>> -> memref<4x128xi32, #tpu.memory_space<hbm>>
      tpu.enqueue_dma source(%dma_start3A_88 : memref<4x128xi32, #tpu.memory_space<hbm>>) target(%arg5 : memref<4x128xi32, #tpu.memory_space<vmem>>) target_semaphore(%run_scoped3A : memref<!tpu.dma_semaphore, #tpu.memory_space<semaphore_mem>>)
      %dma_wait3A_89 = arith.constant 0 : i32
      %dma_wait3A_90 = arith.constant 0 : i32
      %dma_wait3A_91 = tpu.memref_slice %arg3[%add3A, %dma_wait3A_89, %dma_wait3A_90] : memref<32x4x128xi32, #tpu.memory_space<hbm>> -> memref<1x4x128xi32, #tpu.memory_space<hbm>>
      %dma_wait3A_92 = tpu.memref_squeeze %dma_wait3A_91 : memref<1x4x128xi32, #tpu.memory_space<hbm>> -> memref<4x128xi32, #tpu.memory_space<hbm>>
      %dma_wait3A_93 = arith.constant 0 : i32
      %dma_wait3A_94 = arith.constant 0 : i32
      %dma_wait3A_95 = tpu.memref_slice %arg3[%add3A, %dma_wait3A_93, %dma_wait3A_94] : memref<32x4x128xi32, #tpu.memory_space<hbm>> -> memref<1x4x128xi32, #tpu.memory_space<hbm>>
      %dma_wait3A_96 = tpu.memref_squeeze %dma_wait3A_95 : memref<1x4x128xi32, #tpu.memory_space<hbm>> -> memref<4x128xi32, #tpu.memory_space<hbm>>
      tpu.wait_dma2 semaphore(%run_scoped3A : memref<!tpu.dma_semaphore, #tpu.memory_space<semaphore_mem>>) src(%dma_wait3A_96 : memref<4x128xi32, #tpu.memory_space<hbm>>) dst(%arg5 : memref<4x128xi32, #tpu.memory_space<vmem>>)
      tpu.yield
    }) : () -> ()
    %dma_start3A = arith.constant 0 : i32
    %dma_start3A_1 = arith.constant 0 : i32
    %dma_start3A_2 = arith.constant 0 : i32
    %dma_start3A_3 = tpu.memref_slice %arg6[%dma_start3A_1, %dma_start3A_2] : memref<512x128xf32, #tpu.memory_space<vmem>> -> memref<128x128xf32, #tpu.memory_space<vmem>>
    %dma_start3A_4 = arith.constant 0 : i32
    %dma_start3A_5 = tpu.memref_slice %arg5[%dma_start3A, %dma_start3A_4] : memref<4x128xi32, #tpu.memory_space<vmem>> -> memref<1x128xi32, #tpu.memory_space<vmem>>
    %dma_start3A_6 = tpu.memref_squeeze %dma_start3A_5 : memref<1x128xi32, #tpu.memory_space<vmem>> -> memref<128xi32, #tpu.memory_space<vmem>>
    %dma_start3A_7 = arith.constant 0 : i32
    %dma_start3A_8 = arith.constant 0 : i32
    %dma_start3A_9 = tpu.memref_slice %arg2[%dma_start3A_7, %dma_start3A_8] : memref<1024x128xf32, #tpu.memory_space<hbm>> -> memref<1024x128xf32, #tpu.memory_space<hbm>>
    tpu.enqueue_indirect_dma source(%dma_start3A_9 : memref<1024x128xf32, #tpu.memory_space<hbm>>) target(%dma_start3A_3 : memref<128x128xf32, #tpu.memory_space<vmem>>) offsets(%dma_start3A_6 : memref<128xi32, #tpu.memory_space<vmem>>) semaphore(%arg7 : memref<!tpu.dma_semaphore, #tpu.memory_space<semaphore_mem>>)
    %dma_start3A_10 = arith.constant 1 : i32
    %dma_start3A_11 = arith.constant 128 : i32
    %dma_start3A_12 = arith.constant 0 : i32
    %dma_start3A_13 = tpu.memref_slice %arg6[%dma_start3A_11, %dma_start3A_12] : memref<512x128xf32, #tpu.memory_space<vmem>> -> memref<128x128xf32, #tpu.memory_space<vmem>>
    %dma_start3A_14 = arith.constant 0 : i32
    %dma_start3A_15 = tpu.memref_slice %arg5[%dma_start3A_10, %dma_start3A_14] : memref<4x128xi32, #tpu.memory_space<vmem>> -> memref<1x128xi32, #tpu.memory_space<vmem>>
    %dma_start3A_16 = tpu.memref_squeeze %dma_start3A_15 : memref<1x128xi32, #tpu.memory_space<vmem>> -> memref<128xi32, #tpu.memory_space<vmem>>
    %dma_start3A_17 = arith.constant 0 : i32
    %dma_start3A_18 = arith.constant 0 : i32
    %dma_start3A_19 = tpu.memref_slice %arg2[%dma_start3A_17, %dma_start3A_18] : memref<1024x128xf32, #tpu.memory_space<hbm>> -> memref<1024x128xf32, #tpu.memory_space<hbm>>
    tpu.enqueue_indirect_dma source(%dma_start3A_19 : memref<1024x128xf32, #tpu.memory_space<hbm>>) target(%dma_start3A_13 : memref<128x128xf32, #tpu.memory_space<vmem>>) offsets(%dma_start3A_16 : memref<128xi32, #tpu.memory_space<vmem>>) semaphore(%arg7 : memref<!tpu.dma_semaphore, #tpu.memory_space<semaphore_mem>>)
    %dma_start3A_20 = arith.constant 2 : i32
    %dma_start3A_21 = arith.constant 256 : i32
    %dma_start3A_22 = arith.constant 0 : i32
    %dma_start3A_23 = tpu.memref_slice %arg6[%dma_start3A_21, %dma_start3A_22] : memref<512x128xf32, #tpu.memory_space<vmem>> -> memref<128x128xf32, #tpu.memory_space<vmem>>
    %dma_start3A_24 = arith.constant 0 : i32
    %dma_start3A_25 = tpu.memref_slice %arg5[%dma_start3A_20, %dma_start3A_24] : memref<4x128xi32, #tpu.memory_space<vmem>> -> memref<1x128xi32, #tpu.memory_space<vmem>>
    %dma_start3A_26 = tpu.memref_squeeze %dma_start3A_25 : memref<1x128xi32, #tpu.memory_space<vmem>> -> memref<128xi32, #tpu.memory_space<vmem>>
    %dma_start3A_27 = arith.constant 0 : i32
    %dma_start3A_28 = arith.constant 0 : i32
    %dma_start3A_29 = tpu.memref_slice %arg2[%dma_start3A_27, %dma_start3A_28] : memref<1024x128xf32, #tpu.memory_space<hbm>> -> memref<1024x128xf32, #tpu.memory_space<hbm>>
    tpu.enqueue_indirect_dma source(%dma_start3A_29 : memref<1024x128xf32, #tpu.memory_space<hbm>>) target(%dma_start3A_23 : memref<128x128xf32, #tpu.memory_space<vmem>>) offsets(%dma_start3A_26 : memref<128xi32, #tpu.memory_space<vmem>>) semaphore(%arg7 : memref<!tpu.dma_semaphore, #tpu.memory_space<semaphore_mem>>)
    %dma_start3A_30 = arith.constant 3 : i32
    %dma_start3A_31 = arith.constant 384 : i32
    %dma_start3A_32 = arith.constant 0 : i32
    %dma_start3A_33 = tpu.memref_slice %arg6[%dma_start3A_31, %dma_start3A_32] : memref<512x128xf32, #tpu.memory_space<vmem>> -> memref<128x128xf32, #tpu.memory_space<vmem>>
    %dma_start3A_34 = arith.constant 0 : i32
    %dma_start3A_35 = tpu.memref_slice %arg5[%dma_start3A_30, %dma_start3A_34] : memref<4x128xi32, #tpu.memory_space<vmem>> -> memref<1x128xi32, #tpu.memory_space<vmem>>
    %dma_start3A_36 = tpu.memref_squeeze %dma_start3A_35 : memref<1x128xi32, #tpu.memory_space<vmem>> -> memref<128xi32, #tpu.memory_space<vmem>>
    %dma_start3A_37 = arith.constant 0 : i32
    %dma_start3A_38 = arith.constant 0 : i32
    %dma_start3A_39 = tpu.memref_slice %arg2[%dma_start3A_37, %dma_start3A_38] : memref<1024x128xf32, #tpu.memory_space<hbm>> -> memref<1024x128xf32, #tpu.memory_space<hbm>>
    tpu.enqueue_indirect_dma source(%dma_start3A_39 : memref<1024x128xf32, #tpu.memory_space<hbm>>) target(%dma_start3A_33 : memref<128x128xf32, #tpu.memory_space<vmem>>) offsets(%dma_start3A_36 : memref<128xi32, #tpu.memory_space<vmem>>) semaphore(%arg7 : memref<!tpu.dma_semaphore, #tpu.memory_space<semaphore_mem>>)
    %dma_wait3A = arith.constant 0 : i32
    %dma_wait3A_40 = arith.constant 0 : i32
    %dma_wait3A_41 = arith.constant 0 : i32
    %dma_wait3A_42 = tpu.memref_slice %arg6[%dma_wait3A_40, %dma_wait3A_41] : memref<512x128xf32, #tpu.memory_space<vmem>> -> memref<128x128xf32, #tpu.memory_space<vmem>>
    %dma_wait3A_43 = arith.constant 0 : i32
    %dma_wait3A_44 = tpu.memref_slice %arg5[%dma_wait3A, %dma_wait3A_43] : memref<4x128xi32, #tpu.memory_space<vmem>> -> memref<1x128xi32, #tpu.memory_space<vmem>>
    %dma_wait3A_45 = tpu.memref_squeeze %dma_wait3A_44 : memref<1x128xi32, #tpu.memory_space<vmem>> -> memref<128xi32, #tpu.memory_space<vmem>>
    %dma_wait3A_46 = arith.constant 0 : i32
    %dma_wait3A_47 = arith.constant 0 : i32
    %dma_wait3A_48 = tpu.memref_slice %arg2[%dma_wait3A_46, %dma_wait3A_47] : memref<1024x128xf32, #tpu.memory_space<hbm>> -> memref<1024x128xf32, #tpu.memory_space<hbm>>
    tpu.wait_indirect_dma semaphore(%arg7 : memref<!tpu.dma_semaphore, #tpu.memory_space<semaphore_mem>>) src(%dma_wait3A_48 : memref<1024x128xf32, #tpu.memory_space<hbm>>) dst(%dma_wait3A_42 : memref<128x128xf32, #tpu.memory_space<vmem>>)
    %dma_wait3A_49 = arith.constant 1 : i32
    %dma_wait3A_50 = arith.constant 128 : i32
    %dma_wait3A_51 = arith.constant 0 : i32
    %dma_wait3A_52 = tpu.memref_slice %arg6[%dma_wait3A_50, %dma_wait3A_51] : memref<512x128xf32, #tpu.memory_space<vmem>> -> memref<128x128xf32, #tpu.memory_space<vmem>>
    %dma_wait3A_53 = arith.constant 0 : i32
    %dma_wait3A_54 = tpu.memref_slice %arg5[%dma_wait3A_49, %dma_wait3A_53] : memref<4x128xi32, #tpu.memory_space<vmem>> -> memref<1x128xi32, #tpu.memory_space<vmem>>
    %dma_wait3A_55 = tpu.memref_squeeze %dma_wait3A_54 : memref<1x128xi32, #tpu.memory_space<vmem>> -> memref<128xi32, #tpu.memory_space<vmem>>
    %dma_wait3A_56 = arith.constant 0 : i32
    %dma_wait3A_57 = arith.constant 0 : i32
    %dma_wait3A_58 = tpu.memref_slice %arg2[%dma_wait3A_56, %dma_wait3A_57] : memref<1024x128xf32, #tpu.memory_space<hbm>> -> memref<1024x128xf32, #tpu.memory_space<hbm>>
    tpu.wait_indirect_dma semaphore(%arg7 : memref<!tpu.dma_semaphore, #tpu.memory_space<semaphore_mem>>) src(%dma_wait3A_58 : memref<1024x128xf32, #tpu.memory_space<hbm>>) dst(%dma_wait3A_52 : memref<128x128xf32, #tpu.memory_space<vmem>>)
    %dma_wait3A_59 = arith.constant 2 : i32
    %dma_wait3A_60 = arith.constant 256 : i32
    %dma_wait3A_61 = arith.constant 0 : i32
    %dma_wait3A_62 = tpu.memref_slice %arg6[%dma_wait3A_60, %dma_wait3A_61] : memref<512x128xf32, #tpu.memory_space<vmem>> -> memref<128x128xf32, #tpu.memory_space<vmem>>
    %dma_wait3A_63 = arith.constant 0 : i32
    %dma_wait3A_64 = tpu.memref_slice %arg5[%dma_wait3A_59, %dma_wait3A_63] : memref<4x128xi32, #tpu.memory_space<vmem>> -> memref<1x128xi32, #tpu.memory_space<vmem>>
    %dma_wait3A_65 = tpu.memref_squeeze %dma_wait3A_64 : memref<1x128xi32, #tpu.memory_space<vmem>> -> memref<128xi32, #tpu.memory_space<vmem>>
    %dma_wait3A_66 = arith.constant 0 : i32
    %dma_wait3A_67 = arith.constant 0 : i32
    %dma_wait3A_68 = tpu.memref_slice %arg2[%dma_wait3A_66, %dma_wait3A_67] : memref<1024x128xf32, #tpu.memory_space<hbm>> -> memref<1024x128xf32, #tpu.memory_space<hbm>>
    tpu.wait_indirect_dma semaphore(%arg7 : memref<!tpu.dma_semaphore, #tpu.memory_space<semaphore_mem>>) src(%dma_wait3A_68 : memref<1024x128xf32, #tpu.memory_space<hbm>>) dst(%dma_wait3A_62 : memref<128x128xf32, #tpu.memory_space<vmem>>)
    %dma_wait3A_69 = arith.constant 3 : i32
    %dma_wait3A_70 = arith.constant 384 : i32
    %dma_wait3A_71 = arith.constant 0 : i32
    %dma_wait3A_72 = tpu.memref_slice %arg6[%dma_wait3A_70, %dma_wait3A_71] : memref<512x128xf32, #tpu.memory_space<vmem>> -> memref<128x128xf32, #tpu.memory_space<vmem>>
    %dma_wait3A_73 = arith.constant 0 : i32
    %dma_wait3A_74 = tpu.memref_slice %arg5[%dma_wait3A_69, %dma_wait3A_73] : memref<4x128xi32, #tpu.memory_space<vmem>> -> memref<1x128xi32, #tpu.memory_space<vmem>>
    %dma_wait3A_75 = tpu.memref_squeeze %dma_wait3A_74 : memref<1x128xi32, #tpu.memory_space<vmem>> -> memref<128xi32, #tpu.memory_space<vmem>>
    %dma_wait3A_76 = arith.constant 0 : i32
    %dma_wait3A_77 = arith.constant 0 : i32
    %dma_wait3A_78 = tpu.memref_slice %arg2[%dma_wait3A_76, %dma_wait3A_77] : memref<1024x128xf32, #tpu.memory_space<hbm>> -> memref<1024x128xf32, #tpu.memory_space<hbm>>
    tpu.wait_indirect_dma semaphore(%arg7 : memref<!tpu.dma_semaphore, #tpu.memory_space<semaphore_mem>>) src(%dma_wait3A_78 : memref<1024x128xf32, #tpu.memory_space<hbm>>) dst(%dma_wait3A_72 : memref<128x128xf32, #tpu.memory_space<vmem>>)
    %mul3A_79 = arith.constant 512 : i32
    %mul3A_80 = arith.muli %add3A, %mul3A_79 : i32
    "tpu.region"() ({
      %run_scoped3A = tpu.sem_alloc : memref<!tpu.dma_semaphore, #tpu.memory_space<semaphore_mem>>
      %dma_start3A_81 = arith.constant 0 : i32
      %dma_start3A_82 = tpu.memref_slice %arg4[%mul3A_80, %dma_start3A_81] : memref<16384x128xf32, #tpu.memory_space<hbm>> -> memref<512x128xf32, #tpu.memory_space<hbm>>
      %dma_start3A_83 = arith.constant 0 : i32
      %dma_start3A_84 = tpu.memref_slice %arg4[%mul3A_80, %dma_start3A_83] : memref<16384x128xf32, #tpu.memory_space<hbm>> -> memref<512x128xf32, #tpu.memory_space<hbm>>
      tpu.enqueue_dma source(%arg6 : memref<512x128xf32, #tpu.memory_space<vmem>>) target(%dma_start3A_84 : memref<512x128xf32, #tpu.memory_space<hbm>>) target_semaphore(%run_scoped3A : memref<!tpu.dma_semaphore, #tpu.memory_space<semaphore_mem>>)
      %dma_wait3A_85 = arith.constant 0 : i32
      %dma_wait3A_86 = tpu.memref_slice %arg4[%mul3A_80, %dma_wait3A_85] : memref<16384x128xf32, #tpu.memory_space<hbm>> -> memref<512x128xf32, #tpu.memory_space<hbm>>
      %dma_wait3A_87 = arith.constant 0 : i32
      %dma_wait3A_88 = tpu.memref_slice %arg4[%mul3A_80, %dma_wait3A_87] : memref<16384x128xf32, #tpu.memory_space<hbm>> -> memref<512x128xf32, #tpu.memory_space<hbm>>
      tpu.wait_dma2 semaphore(%run_scoped3A : memref<!tpu.dma_semaphore, #tpu.memory_space<semaphore_mem>>) src(%arg6 : memref<512x128xf32, #tpu.memory_space<vmem>>) dst(%dma_wait3A_88 : memref<512x128xf32, #tpu.memory_space<hbm>>)
      tpu.yield
    }) : () -> ()
    return
  }
}

module attributes {stable_mosaic.version = 14 : i64} {
  func.func @_dist_argmin_body(%arg0: i32, %arg1: memref<2048x1xf32, #tpu.memory_space<vmem>>, %arg2: memref<1x1024xf32, #tpu.memory_space<vmem>>, %arg3: memref<2048x64xf32, #tpu.memory_space<vmem>>, %arg4: memref<1024x64xf32, #tpu.memory_space<vmem>>, %arg5: memref<2048x1xi32, #tpu.memory_space<vmem>>, %arg6: memref<1x1024xf32, #tpu.memory_space<vmem>>) attributes {dimension_semantics = [#tpu.dimension_semantics<arbitrary>], iteration_bounds = array<i64: 8>, scalar_prefetch = 0 : i64, scratch_operands = 0 : i64, tpu.core_type = #tpu.core_type<tc>, window_params = [{transform_indices = @transform_0, window_bounds = array<i64: 2048, 1>}, {pipeline_mode = #tpu.pipeline_mode<synchronous>, transform_indices = @transform_1, window_bounds = array<i64: 1, 1024>}, {transform_indices = @transform_2, window_bounds = array<i64: 2048, 64>}, {pipeline_mode = #tpu.pipeline_mode<synchronous>, transform_indices = @transform_3, window_bounds = array<i64: 1024, 64>}, {transform_indices = @transform_4, window_bounds = array<i64: 2048, 1>}, {pipeline_mode = #tpu.pipeline_mode<synchronous>, transform_indices = @transform_5, window_bounds = array<i64: 1, 1024>}]} {
    %eq3A = arith.constant 0 : i32
    %eq3A_0 = arith.cmpi eq, %arg0, %eq3A : i32
    %convert_element_type3A = arith.extui %eq3A_0 : i1 to i32
    %cond3A = arith.constant 0 : i32
    %cond3A_1 = arith.cmpi ne, %convert_element_type3A, %cond3A : i32
    scf.if %cond3A_1 {
      %broadcast_in_dim3A_215 = arith.constant 0.000000e+00 : f32
      %broadcast_in_dim3A_216 = vector.broadcast %broadcast_in_dim3A_215 : f32 to vector<1x1024xf32>
      %swap3A_217 = arith.constant 0 : index
      %swap3A_218 = arith.constant 0 : index
      %swap3A_219 = vector.load %arg6[%swap3A_217, %swap3A_218] : memref<1x1024xf32, #tpu.memory_space<vmem>>, vector<1x1024xf32>
      tpu.vector_store %arg6[%swap3A_217, %swap3A_218], %broadcast_in_dim3A_216 {strides = array<i32>} : memref<1x1024xf32, #tpu.memory_space<vmem>>, vector<1x1024xf32>,
    } else {
    }
    %get3A = arith.constant 0 : index
    %get3A_2 = arith.constant 0 : index
    %get3A_3 = vector.load %arg3[%get3A, %get3A_2] : memref<2048x64xf32, #tpu.memory_space<vmem>>, vector<2048x64xf32>
    %get3A_4 = arith.constant 0 : index
    %get3A_5 = arith.constant 0 : index
    %get3A_6 = vector.load %arg4[%get3A_4, %get3A_5] : memref<1024x64xf32, #tpu.memory_space<vmem>>, vector<1024x64xf32>
    %slice3A = vector.extract_strided_slice %get3A_3 {offsets = [0, 0], sizes = [512, 64], strides = [1, 1]} : vector<2048x64xf32> to vector<512x64xf32>
    %dot_general3A = arith.constant dense<0.000000e+00> : vector<512x1024xf32>
    %dot_general3A_7 = tpu.matmul %slice3A, %get3A_6, %dot_general3A {dimension_numbers = #tpu.dot_dimension_numbers<[1], [1], [0], [0], [0, 0, 1, 0], [], []>, transpose_lhs_hint = false} : vector<512x64xf32>, vector<1024x64xf32>, vector<512x1024xf32> -> vector<512x1024xf32>
    %get3A_8 = arith.constant 0 : index
    %get3A_9 = arith.constant 0 : index
    %get3A_10 = vector.load %arg1[%get3A_8, %get3A_9] : memref<2048x1xf32, #tpu.memory_space<vmem>>, vector<2048x1xf32>
    %slice3A_11 = vector.extract_strided_slice %get3A_10 {offsets = [0, 0], sizes = [512, 1], strides = [1, 1]} : vector<2048x1xf32> to vector<512x1xf32>
    %get3A_12 = arith.constant 0 : index
    %get3A_13 = arith.constant 0 : index
    %get3A_14 = vector.load %arg2[%get3A_12, %get3A_13] : memref<1x1024xf32, #tpu.memory_space<vmem>>, vector<1x1024xf32>
    %add3A = vector.broadcast %slice3A_11 : vector<512x1xf32> to vector<512x1024xf32>
    %add3A_15 = vector.broadcast %get3A_14 : vector<1x1024xf32> to vector<512x1024xf32>
    %add3A_16 = arith.addf %add3A, %add3A_15 : vector<512x1024xf32>
    %mul3A = arith.constant 2.000000e+00 : f32
    %mul3A_17 = vector.broadcast %mul3A : f32 to vector<512x1024xf32>
    %mul3A_18 = arith.mulf %mul3A_17, %dot_general3A_7 : vector<512x1024xf32>
    %sub3A = arith.subf %add3A_16, %mul3A_18 : vector<512x1024xf32>
    %reduce_min3A = arith.constant dense<0x7F800000> : vector<512xf32>
    %reduce_min3A_19 = vector.multi_reduction <minimumf>, %sub3A, %reduce_min3A [1] : vector<512x1024xf32> to vector<512xf32>
    %broadcast_in_dim3A = vector.shape_cast %reduce_min3A_19 : vector<512xf32> to vector<512x1xf32>
    %iota3A = tpu.iota {dimensions = array<i32: 1>} : vector<1x1024xi32>
    %convert_element_type3A_20 = arith.sitofp %iota3A : vector<1x1024xi32> to vector<1x1024xf32>
    %eq3A_21 = vector.broadcast %broadcast_in_dim3A : vector<512x1xf32> to vector<512x1024xf32>
    %eq3A_22 = arith.cmpf oeq, %sub3A, %eq3A_21 : vector<512x1024xf32>
    %jit3A = arith.constant 1.024000e+03 : f32
    %broadcast_in_dim3A_23 = vector.shape_cast %convert_element_type3A_20 : vector<1x1024xf32> to vector<1x1024xf32>
    %broadcast_in_dim3A_24 = vector.broadcast %broadcast_in_dim3A_23 : vector<1x1024xf32> to vector<512x1024xf32>
    %broadcast_in_dim3A_25 = vector.broadcast %jit3A : f32 to vector<512x1024xf32>
    %select_n3A = arith.select %eq3A_22, %broadcast_in_dim3A_24, %broadcast_in_dim3A_25 : vector<512x1024xi1>, vector<512x1024xf32>
    %reduce_min3A_26 = arith.constant dense<0x7F800000> : vector<512xf32>
    %reduce_min3A_27 = vector.multi_reduction <minimumf>, %select_n3A, %reduce_min3A_26 [1] : vector<512x1024xf32> to vector<512xf32>
    %broadcast_in_dim3A_28 = vector.shape_cast %reduce_min3A_27 : vector<512xf32> to vector<512x1xf32>
    %convert_element_type3A_29 = arith.fptosi %broadcast_in_dim3A_28 : vector<512x1xf32> to vector<512x1xi32>
    %swap3A = arith.constant 0 : index
    %swap3A_30 = arith.constant 0 : index
    %swap3A_31 = vector.load %arg5[%swap3A, %swap3A_30] : memref<2048x1xi32, #tpu.memory_space<vmem>>, vector<512x1xi32>
    tpu.vector_store %arg5[%swap3A, %swap3A_30], %convert_element_type3A_29 {strides = array<i32>} : memref<2048x1xi32, #tpu.memory_space<vmem>>, vector<512x1xi32>,
    %broadcast_in_dim3A_32 = vector.shape_cast %reduce_min3A_27 : vector<512xf32> to vector<512x1xf32>
    %eq3A_33 = vector.broadcast %convert_element_type3A_20 : vector<1x1024xf32> to vector<512x1024xf32>
    %eq3A_34 = vector.broadcast %broadcast_in_dim3A_32 : vector<512x1xf32> to vector<512x1024xf32>
    %eq3A_35 = arith.cmpf oeq, %eq3A_33, %eq3A_34 : vector<512x1024xf32>
    %jit3A_36 = arith.constant 1.000000e+00 : f32
    %jit3A_37 = arith.constant 0.000000e+00 : f32
    %broadcast_in_dim3A_38 = vector.broadcast %jit3A_36 : f32 to vector<512x1024xf32>
    %broadcast_in_dim3A_39 = vector.broadcast %jit3A_37 : f32 to vector<512x1024xf32>
    %select_n3A_40 = arith.select %eq3A_35, %broadcast_in_dim3A_38, %broadcast_in_dim3A_39 : vector<512x1024xi1>, vector<512x1024xf32>
    %get3A_41 = arith.constant 0 : index
    %get3A_42 = arith.constant 0 : index
    %get3A_43 = vector.load %arg6[%get3A_41, %get3A_42] : memref<1x1024xf32, #tpu.memory_space<vmem>>, vector<1x1024xf32>
    %reduce_sum3A = arith.constant dense<0.000000e+00> : vector<1024xf32>
    %reduce_sum3A_44 = vector.multi_reduction <add>, %select_n3A_40, %reduce_sum3A [0] : vector<512x1024xf32> to vector<1024xf32>
    %broadcast_in_dim3A_45 = vector.shape_cast %reduce_sum3A_44 : vector<1024xf32> to vector<1x1024xf32>
    %add3A_46 = arith.addf %get3A_43, %broadcast_in_dim3A_45 : vector<1x1024xf32>
    %swap3A_47 = arith.constant 0 : index
    %swap3A_48 = arith.constant 0 : index
    %swap3A_49 = vector.load %arg6[%swap3A_47, %swap3A_48] : memref<1x1024xf32, #tpu.memory_space<vmem>>, vector<1x1024xf32>
    tpu.vector_store %arg6[%swap3A_47, %swap3A_48], %add3A_46 {strides = array<i32>} : memref<1x1024xf32, #tpu.memory_space<vmem>>, vector<1x1024xf32>,
    %slice3A_50 = vector.extract_strided_slice %get3A_3 {offsets = [512, 0], sizes = [512, 64], strides = [1, 1]} : vector<2048x64xf32> to vector<512x64xf32>
    %dot_general3A_51 = arith.constant dense<0.000000e+00> : vector<512x1024xf32>
    %dot_general3A_52 = tpu.matmul %slice3A_50, %get3A_6, %dot_general3A_51 {dimension_numbers = #tpu.dot_dimension_numbers<[1], [1], [0], [0], [0, 0, 1, 0], [], []>, transpose_lhs_hint = false} : vector<512x64xf32>, vector<1024x64xf32>, vector<512x1024xf32> -> vector<512x1024xf32>
    %get3A_53 = arith.constant 0 : index
    %get3A_54 = arith.constant 0 : index
    %get3A_55 = vector.load %arg1[%get3A_53, %get3A_54] : memref<2048x1xf32, #tpu.memory_space<vmem>>, vector<2048x1xf32>
    %slice3A_56 = vector.extract_strided_slice %get3A_55 {offsets = [512, 0], sizes = [512, 1], strides = [1, 1]} : vector<2048x1xf32> to vector<512x1xf32>
    %get3A_57 = arith.constant 0 : index
    %get3A_58 = arith.constant 0 : index
    %get3A_59 = vector.load %arg2[%get3A_57, %get3A_58] : memref<1x1024xf32, #tpu.memory_space<vmem>>, vector<1x1024xf32>
    %add3A_60 = vector.broadcast %slice3A_56 : vector<512x1xf32> to vector<512x1024xf32>
    %add3A_61 = vector.broadcast %get3A_59 : vector<1x1024xf32> to vector<512x1024xf32>
    %add3A_62 = arith.addf %add3A_60, %add3A_61 : vector<512x1024xf32>
    %mul3A_63 = arith.constant 2.000000e+00 : f32
    %mul3A_64 = vector.broadcast %mul3A_63 : f32 to vector<512x1024xf32>
    %mul3A_65 = arith.mulf %mul3A_64, %dot_general3A_52 : vector<512x1024xf32>
    %sub3A_66 = arith.subf %add3A_62, %mul3A_65 : vector<512x1024xf32>
    %reduce_min3A_67 = arith.constant dense<0x7F800000> : vector<512xf32>
    %reduce_min3A_68 = vector.multi_reduction <minimumf>, %sub3A_66, %reduce_min3A_67 [1] : vector<512x1024xf32> to vector<512xf32>
    %broadcast_in_dim3A_69 = vector.shape_cast %reduce_min3A_68 : vector<512xf32> to vector<512x1xf32>
    %iota3A_70 = tpu.iota {dimensions = array<i32: 1>} : vector<1x1024xi32>
    %convert_element_type3A_71 = arith.sitofp %iota3A_70 : vector<1x1024xi32> to vector<1x1024xf32>
    %eq3A_72 = vector.broadcast %broadcast_in_dim3A_69 : vector<512x1xf32> to vector<512x1024xf32>
    %eq3A_73 = arith.cmpf oeq, %sub3A_66, %eq3A_72 : vector<512x1024xf32>
    %jit3A_74 = arith.constant 1.024000e+03 : f32
    %broadcast_in_dim3A_75 = vector.shape_cast %convert_element_type3A_71 : vector<1x1024xf32> to vector<1x1024xf32>
    %broadcast_in_dim3A_76 = vector.broadcast %broadcast_in_dim3A_75 : vector<1x1024xf32> to vector<512x1024xf32>
    %broadcast_in_dim3A_77 = vector.broadcast %jit3A_74 : f32 to vector<512x1024xf32>
    %select_n3A_78 = arith.select %eq3A_73, %broadcast_in_dim3A_76, %broadcast_in_dim3A_77 : vector<512x1024xi1>, vector<512x1024xf32>
    %reduce_min3A_79 = arith.constant dense<0x7F800000> : vector<512xf32>
    %reduce_min3A_80 = vector.multi_reduction <minimumf>, %select_n3A_78, %reduce_min3A_79 [1] : vector<512x1024xf32> to vector<512xf32>
    %broadcast_in_dim3A_81 = vector.shape_cast %reduce_min3A_80 : vector<512xf32> to vector<512x1xf32>
    %convert_element_type3A_82 = arith.fptosi %broadcast_in_dim3A_81 : vector<512x1xf32> to vector<512x1xi32>
    %swap3A_83 = arith.constant 512 : index
    %swap3A_84 = arith.constant 0 : index
    %swap3A_85 = vector.load %arg5[%swap3A_83, %swap3A_84] : memref<2048x1xi32, #tpu.memory_space<vmem>>, vector<512x1xi32>
    tpu.vector_store %arg5[%swap3A_83, %swap3A_84], %convert_element_type3A_82 {strides = array<i32>} : memref<2048x1xi32, #tpu.memory_space<vmem>>, vector<512x1xi32>,
    %broadcast_in_dim3A_86 = vector.shape_cast %reduce_min3A_80 : vector<512xf32> to vector<512x1xf32>
    %eq3A_87 = vector.broadcast %convert_element_type3A_71 : vector<1x1024xf32> to vector<512x1024xf32>
    %eq3A_88 = vector.broadcast %broadcast_in_dim3A_86 : vector<512x1xf32> to vector<512x1024xf32>
    %eq3A_89 = arith.cmpf oeq, %eq3A_87, %eq3A_88 : vector<512x1024xf32>
    %jit3A_90 = arith.constant 1.000000e+00 : f32
    %jit3A_91 = arith.constant 0.000000e+00 : f32
    %broadcast_in_dim3A_92 = vector.broadcast %jit3A_90 : f32 to vector<512x1024xf32>
    %broadcast_in_dim3A_93 = vector.broadcast %jit3A_91 : f32 to vector<512x1024xf32>
    %select_n3A_94 = arith.select %eq3A_89, %broadcast_in_dim3A_92, %broadcast_in_dim3A_93 : vector<512x1024xi1>, vector<512x1024xf32>
    %get3A_95 = arith.constant 0 : index
    %get3A_96 = arith.constant 0 : index
    %get3A_97 = vector.load %arg6[%get3A_95, %get3A_96] : memref<1x1024xf32, #tpu.memory_space<vmem>>, vector<1x1024xf32>
    %reduce_sum3A_98 = arith.constant dense<0.000000e+00> : vector<1024xf32>
    %reduce_sum3A_99 = vector.multi_reduction <add>, %select_n3A_94, %reduce_sum3A_98 [0] : vector<512x1024xf32> to vector<1024xf32>
    %broadcast_in_dim3A_100 = vector.shape_cast %reduce_sum3A_99 : vector<1024xf32> to vector<1x1024xf32>
    %add3A_101 = arith.addf %get3A_97, %broadcast_in_dim3A_100 : vector<1x1024xf32>
    %swap3A_102 = arith.constant 0 : index
    %swap3A_103 = arith.constant 0 : index
    %swap3A_104 = vector.load %arg6[%swap3A_102, %swap3A_103] : memref<1x1024xf32, #tpu.memory_space<vmem>>, vector<1x1024xf32>
    tpu.vector_store %arg6[%swap3A_102, %swap3A_103], %add3A_101 {strides = array<i32>} : memref<1x1024xf32, #tpu.memory_space<vmem>>, vector<1x1024xf32>,
    %slice3A_105 = vector.extract_strided_slice %get3A_3 {offsets = [1024, 0], sizes = [512, 64], strides = [1, 1]} : vector<2048x64xf32> to vector<512x64xf32>
    %dot_general3A_106 = arith.constant dense<0.000000e+00> : vector<512x1024xf32>
    %dot_general3A_107 = tpu.matmul %slice3A_105, %get3A_6, %dot_general3A_106 {dimension_numbers = #tpu.dot_dimension_numbers<[1], [1], [0], [0], [0, 0, 1, 0], [], []>, transpose_lhs_hint = false} : vector<512x64xf32>, vector<1024x64xf32>, vector<512x1024xf32> -> vector<512x1024xf32>
    %get3A_108 = arith.constant 0 : index
    %get3A_109 = arith.constant 0 : index
    %get3A_110 = vector.load %arg1[%get3A_108, %get3A_109] : memref<2048x1xf32, #tpu.memory_space<vmem>>, vector<2048x1xf32>
    %slice3A_111 = vector.extract_strided_slice %get3A_110 {offsets = [1024, 0], sizes = [512, 1], strides = [1, 1]} : vector<2048x1xf32> to vector<512x1xf32>
    %get3A_112 = arith.constant 0 : index
    %get3A_113 = arith.constant 0 : index
    %get3A_114 = vector.load %arg2[%get3A_112, %get3A_113] : memref<1x1024xf32, #tpu.memory_space<vmem>>, vector<1x1024xf32>
    %add3A_115 = vector.broadcast %slice3A_111 : vector<512x1xf32> to vector<512x1024xf32>
    %add3A_116 = vector.broadcast %get3A_114 : vector<1x1024xf32> to vector<512x1024xf32>
    %add3A_117 = arith.addf %add3A_115, %add3A_116 : vector<512x1024xf32>
    %mul3A_118 = arith.constant 2.000000e+00 : f32
    %mul3A_119 = vector.broadcast %mul3A_118 : f32 to vector<512x1024xf32>
    %mul3A_120 = arith.mulf %mul3A_119, %dot_general3A_107 : vector<512x1024xf32>
    %sub3A_121 = arith.subf %add3A_117, %mul3A_120 : vector<512x1024xf32>
    %reduce_min3A_122 = arith.constant dense<0x7F800000> : vector<512xf32>
    %reduce_min3A_123 = vector.multi_reduction <minimumf>, %sub3A_121, %reduce_min3A_122 [1] : vector<512x1024xf32> to vector<512xf32>
    %broadcast_in_dim3A_124 = vector.shape_cast %reduce_min3A_123 : vector<512xf32> to vector<512x1xf32>
    %iota3A_125 = tpu.iota {dimensions = array<i32: 1>} : vector<1x1024xi32>
    %convert_element_type3A_126 = arith.sitofp %iota3A_125 : vector<1x1024xi32> to vector<1x1024xf32>
    %eq3A_127 = vector.broadcast %broadcast_in_dim3A_124 : vector<512x1xf32> to vector<512x1024xf32>
    %eq3A_128 = arith.cmpf oeq, %sub3A_121, %eq3A_127 : vector<512x1024xf32>
    %jit3A_129 = arith.constant 1.024000e+03 : f32
    %broadcast_in_dim3A_130 = vector.shape_cast %convert_element_type3A_126 : vector<1x1024xf32> to vector<1x1024xf32>
    %broadcast_in_dim3A_131 = vector.broadcast %broadcast_in_dim3A_130 : vector<1x1024xf32> to vector<512x1024xf32>
    %broadcast_in_dim3A_132 = vector.broadcast %jit3A_129 : f32 to vector<512x1024xf32>
    %select_n3A_133 = arith.select %eq3A_128, %broadcast_in_dim3A_131, %broadcast_in_dim3A_132 : vector<512x1024xi1>, vector<512x1024xf32>
    %reduce_min3A_134 = arith.constant dense<0x7F800000> : vector<512xf32>
    %reduce_min3A_135 = vector.multi_reduction <minimumf>, %select_n3A_133, %reduce_min3A_134 [1] : vector<512x1024xf32> to vector<512xf32>
    %broadcast_in_dim3A_136 = vector.shape_cast %reduce_min3A_135 : vector<512xf32> to vector<512x1xf32>
    %convert_element_type3A_137 = arith.fptosi %broadcast_in_dim3A_136 : vector<512x1xf32> to vector<512x1xi32>
    %swap3A_138 = arith.constant 1024 : index
    %swap3A_139 = arith.constant 0 : index
    %swap3A_140 = vector.load %arg5[%swap3A_138, %swap3A_139] : memref<2048x1xi32, #tpu.memory_space<vmem>>, vector<512x1xi32>
    tpu.vector_store %arg5[%swap3A_138, %swap3A_139], %convert_element_type3A_137 {strides = array<i32>} : memref<2048x1xi32, #tpu.memory_space<vmem>>, vector<512x1xi32>,
    %broadcast_in_dim3A_141 = vector.shape_cast %reduce_min3A_135 : vector<512xf32> to vector<512x1xf32>
    %eq3A_142 = vector.broadcast %convert_element_type3A_126 : vector<1x1024xf32> to vector<512x1024xf32>
    %eq3A_143 = vector.broadcast %broadcast_in_dim3A_141 : vector<512x1xf32> to vector<512x1024xf32>
    %eq3A_144 = arith.cmpf oeq, %eq3A_142, %eq3A_143 : vector<512x1024xf32>
    %jit3A_145 = arith.constant 1.000000e+00 : f32
    %jit3A_146 = arith.constant 0.000000e+00 : f32
    %broadcast_in_dim3A_147 = vector.broadcast %jit3A_145 : f32 to vector<512x1024xf32>
    %broadcast_in_dim3A_148 = vector.broadcast %jit3A_146 : f32 to vector<512x1024xf32>
    %select_n3A_149 = arith.select %eq3A_144, %broadcast_in_dim3A_147, %broadcast_in_dim3A_148 : vector<512x1024xi1>, vector<512x1024xf32>
    %get3A_150 = arith.constant 0 : index
    %get3A_151 = arith.constant 0 : index
    %get3A_152 = vector.load %arg6[%get3A_150, %get3A_151] : memref<1x1024xf32, #tpu.memory_space<vmem>>, vector<1x1024xf32>
    %reduce_sum3A_153 = arith.constant dense<0.000000e+00> : vector<1024xf32>
    %reduce_sum3A_154 = vector.multi_reduction <add>, %select_n3A_149, %reduce_sum3A_153 [0] : vector<512x1024xf32> to vector<1024xf32>
    %broadcast_in_dim3A_155 = vector.shape_cast %reduce_sum3A_154 : vector<1024xf32> to vector<1x1024xf32>
    %add3A_156 = arith.addf %get3A_152, %broadcast_in_dim3A_155 : vector<1x1024xf32>
    %swap3A_157 = arith.constant 0 : index
    %swap3A_158 = arith.constant 0 : index
    %swap3A_159 = vector.load %arg6[%swap3A_157, %swap3A_158] : memref<1x1024xf32, #tpu.memory_space<vmem>>, vector<1x1024xf32>
    tpu.vector_store %arg6[%swap3A_157, %swap3A_158], %add3A_156 {strides = array<i32>} : memref<1x1024xf32, #tpu.memory_space<vmem>>, vector<1x1024xf32>,
    %slice3A_160 = vector.extract_strided_slice %get3A_3 {offsets = [1536, 0], sizes = [512, 64], strides = [1, 1]} : vector<2048x64xf32> to vector<512x64xf32>
    %dot_general3A_161 = arith.constant dense<0.000000e+00> : vector<512x1024xf32>
    %dot_general3A_162 = tpu.matmul %slice3A_160, %get3A_6, %dot_general3A_161 {dimension_numbers = #tpu.dot_dimension_numbers<[1], [1], [0], [0], [0, 0, 1, 0], [], []>, transpose_lhs_hint = false} : vector<512x64xf32>, vector<1024x64xf32>, vector<512x1024xf32> -> vector<512x1024xf32>
    %get3A_163 = arith.constant 0 : index
    %get3A_164 = arith.constant 0 : index
    %get3A_165 = vector.load %arg1[%get3A_163, %get3A_164] : memref<2048x1xf32, #tpu.memory_space<vmem>>, vector<2048x1xf32>
    %slice3A_166 = vector.extract_strided_slice %get3A_165 {offsets = [1536, 0], sizes = [512, 1], strides = [1, 1]} : vector<2048x1xf32> to vector<512x1xf32>
    %get3A_167 = arith.constant 0 : index
    %get3A_168 = arith.constant 0 : index
    %get3A_169 = vector.load %arg2[%get3A_167, %get3A_168] : memref<1x1024xf32, #tpu.memory_space<vmem>>, vector<1x1024xf32>
    %add3A_170 = vector.broadcast %slice3A_166 : vector<512x1xf32> to vector<512x1024xf32>
    %add3A_171 = vector.broadcast %get3A_169 : vector<1x1024xf32> to vector<512x1024xf32>
    %add3A_172 = arith.addf %add3A_170, %add3A_171 : vector<512x1024xf32>
    %mul3A_173 = arith.constant 2.000000e+00 : f32
    %mul3A_174 = vector.broadcast %mul3A_173 : f32 to vector<512x1024xf32>
    %mul3A_175 = arith.mulf %mul3A_174, %dot_general3A_162 : vector<512x1024xf32>
    %sub3A_176 = arith.subf %add3A_172, %mul3A_175 : vector<512x1024xf32>
    %reduce_min3A_177 = arith.constant dense<0x7F800000> : vector<512xf32>
    %reduce_min3A_178 = vector.multi_reduction <minimumf>, %sub3A_176, %reduce_min3A_177 [1] : vector<512x1024xf32> to vector<512xf32>
    %broadcast_in_dim3A_179 = vector.shape_cast %reduce_min3A_178 : vector<512xf32> to vector<512x1xf32>
    %iota3A_180 = tpu.iota {dimensions = array<i32: 1>} : vector<1x1024xi32>
    %convert_element_type3A_181 = arith.sitofp %iota3A_180 : vector<1x1024xi32> to vector<1x1024xf32>
    %eq3A_182 = vector.broadcast %broadcast_in_dim3A_179 : vector<512x1xf32> to vector<512x1024xf32>
    %eq3A_183 = arith.cmpf oeq, %sub3A_176, %eq3A_182 : vector<512x1024xf32>
    %jit3A_184 = arith.constant 1.024000e+03 : f32
    %broadcast_in_dim3A_185 = vector.shape_cast %convert_element_type3A_181 : vector<1x1024xf32> to vector<1x1024xf32>
    %broadcast_in_dim3A_186 = vector.broadcast %broadcast_in_dim3A_185 : vector<1x1024xf32> to vector<512x1024xf32>
    %broadcast_in_dim3A_187 = vector.broadcast %jit3A_184 : f32 to vector<512x1024xf32>
    %select_n3A_188 = arith.select %eq3A_183, %broadcast_in_dim3A_186, %broadcast_in_dim3A_187 : vector<512x1024xi1>, vector<512x1024xf32>
    %reduce_min3A_189 = arith.constant dense<0x7F800000> : vector<512xf32>
    %reduce_min3A_190 = vector.multi_reduction <minimumf>, %select_n3A_188, %reduce_min3A_189 [1] : vector<512x1024xf32> to vector<512xf32>
    %broadcast_in_dim3A_191 = vector.shape_cast %reduce_min3A_190 : vector<512xf32> to vector<512x1xf32>
    %convert_element_type3A_192 = arith.fptosi %broadcast_in_dim3A_191 : vector<512x1xf32> to vector<512x1xi32>
    %swap3A_193 = arith.constant 1536 : index
    %swap3A_194 = arith.constant 0 : index
    %swap3A_195 = vector.load %arg5[%swap3A_193, %swap3A_194] : memref<2048x1xi32, #tpu.memory_space<vmem>>, vector<512x1xi32>
    tpu.vector_store %arg5[%swap3A_193, %swap3A_194], %convert_element_type3A_192 {strides = array<i32>} : memref<2048x1xi32, #tpu.memory_space<vmem>>, vector<512x1xi32>,
    %broadcast_in_dim3A_196 = vector.shape_cast %reduce_min3A_190 : vector<512xf32> to vector<512x1xf32>
    %eq3A_197 = vector.broadcast %convert_element_type3A_181 : vector<1x1024xf32> to vector<512x1024xf32>
    %eq3A_198 = vector.broadcast %broadcast_in_dim3A_196 : vector<512x1xf32> to vector<512x1024xf32>
    %eq3A_199 = arith.cmpf oeq, %eq3A_197, %eq3A_198 : vector<512x1024xf32>
    %jit3A_200 = arith.constant 1.000000e+00 : f32
    %jit3A_201 = arith.constant 0.000000e+00 : f32
    %broadcast_in_dim3A_202 = vector.broadcast %jit3A_200 : f32 to vector<512x1024xf32>
    %broadcast_in_dim3A_203 = vector.broadcast %jit3A_201 : f32 to vector<512x1024xf32>
    %select_n3A_204 = arith.select %eq3A_199, %broadcast_in_dim3A_202, %broadcast_in_dim3A_203 : vector<512x1024xi1>, vector<512x1024xf32>
    %get3A_205 = arith.constant 0 : index
    %get3A_206 = arith.constant 0 : index
    %get3A_207 = vector.load %arg6[%get3A_205, %get3A_206] : memref<1x1024xf32, #tpu.memory_space<vmem>>, vector<1x1024xf32>
    %reduce_sum3A_208 = arith.constant dense<0.000000e+00> : vector<1024xf32>
    %reduce_sum3A_209 = vector.multi_reduction <add>, %select_n3A_204, %reduce_sum3A_208 [0] : vector<512x1024xf32> to vector<1024xf32>
    %broadcast_in_dim3A_210 = vector.shape_cast %reduce_sum3A_209 : vector<1024xf32> to vector<1x1024xf32>
    %add3A_211 = arith.addf %get3A_207, %broadcast_in_dim3A_210 : vector<1x1024xf32>
    %swap3A_212 = arith.constant 0 : index
    %swap3A_213 = arith.constant 0 : index
    %swap3A_214 = vector.load %arg6[%swap3A_212, %swap3A_213] : memref<1x1024xf32, #tpu.memory_space<vmem>>, vector<1x1024xf32>
    tpu.vector_store %arg6[%swap3A_212, %swap3A_213], %add3A_211 {strides = array<i32>} : memref<1x1024xf32, #tpu.memory_space<vmem>>, vector<1x1024xf32>,
    return
  }
  func.func @transform_0(%arg0: i32) -> (i32, i32) {
    %c0_i32 = arith.constant 0 : i32
    %c0_i32_0 = arith.constant 0 : i32
    return %arg0, %c0_i32 : i32, i32
  }
  func.func @transform_1(%arg0: i32) -> (i32, i32) {
    %c0_i32 = arith.constant 0 : i32
    %c0_i32_0 = arith.constant 0 : i32
    %c0_i32_1 = arith.constant 0 : i32
    return %c0_i32, %c0_i32_0 : i32, i32
  }
  func.func @transform_2(%arg0: i32) -> (i32, i32) {
    %c0_i32 = arith.constant 0 : i32
    %c0_i32_0 = arith.constant 0 : i32
    return %arg0, %c0_i32 : i32, i32
  }
  func.func @transform_3(%arg0: i32) -> (i32, i32) {
    %c0_i32 = arith.constant 0 : i32
    %c0_i32_0 = arith.constant 0 : i32
    %c0_i32_1 = arith.constant 0 : i32
    return %c0_i32, %c0_i32_0 : i32, i32
  }
  func.func @transform_4(%arg0: i32) -> (i32, i32) {
    %c0_i32 = arith.constant 0 : i32
    %c0_i32_0 = arith.constant 0 : i32
    return %arg0, %c0_i32 : i32, i32
  }
  func.func @transform_5(%arg0: i32) -> (i32, i32) {
    %c0_i32 = arith.constant 0 : i32
    %c0_i32_0 = arith.constant 0 : i32
    %c0_i32_1 = arith.constant 0 : i32
    return %c0_i32, %c0_i32_0 : i32, i32
  }
}

module attributes {stable_mosaic.version = 14 : i64} {
  func.func @_finalize_body(%arg0: i32, %arg1: memref<4096x128xf32, #tpu.memory_space<vmem>>, %arg2: memref<4096x64xf32, #tpu.memory_space<vmem>>, %arg3: memref<1x1024xf32, #tpu.memory_space<vmem>>, %arg4: memref<1x1xf32, #tpu.memory_space<vmem>>, %arg5: memref<4096x64xf32, #tpu.memory_space<vmem>>, %arg6: memref<1x1xf32, #tpu.memory_space<vmem>>, %arg7: memref<1x1xf32, #tpu.memory_space<smem>>) attributes {dimension_semantics = [#tpu.dimension_semantics<arbitrary>], iteration_bounds = array<i64: 4>, scalar_prefetch = 0 : i64, scratch_operands = 1 : i64, tpu.core_type = #tpu.core_type<tc>, window_params = [{transform_indices = @transform_0, window_bounds = array<i64: 4096, 128>}, {transform_indices = @transform_1, window_bounds = array<i64: 4096, 64>}, {pipeline_mode = #tpu.pipeline_mode<synchronous>, transform_indices = @transform_2, window_bounds = array<i64: 1, 1024>}, {pipeline_mode = #tpu.pipeline_mode<synchronous>, transform_indices = @transform_3, window_bounds = array<i64: 1, 1>}, {transform_indices = @transform_4, window_bounds = array<i64: 4096, 64>}, {pipeline_mode = #tpu.pipeline_mode<synchronous>, transform_indices = @transform_5, window_bounds = array<i64: 1, 1>}]} {
    %eq3A = arith.constant 0 : i32
    %eq3A_0 = arith.cmpi eq, %arg0, %eq3A : i32
    %convert_element_type3A = arith.extui %eq3A_0 : i1 to i32
    %cond3A = arith.constant 0 : i32
    %cond3A_1 = arith.cmpi ne, %convert_element_type3A, %cond3A : i32
    scf.if %cond3A_1 {
      %swap3A_25 = arith.constant 0.000000e+00 : f32
      %swap3A_26 = arith.constant 0 : index
      %swap3A_27 = arith.constant 0 : index
      %swap3A_28 = memref.load %arg7[%swap3A_26, %swap3A_27] : memref<1x1xf32, #tpu.memory_space<smem>>
      memref.store %swap3A_25, %arg7[%swap3A_26, %swap3A_27] : memref<1x1xf32, #tpu.memory_space<smem>>
    } else {
    }
    %get3A = arith.constant 0 : index
    %get3A_2 = arith.constant 0 : index
    %get3A_3 = vector.load %arg1[%get3A, %get3A_2] : memref<4096x128xf32, #tpu.memory_space<vmem>>, vector<4096x128xf32>
    %slice3A = vector.extract_strided_slice %get3A_3 {offsets = [0, 0], sizes = [4096, 64], strides = [1, 1]} : vector<4096x128xf32> to vector<4096x64xf32>
    %get3A_4 = arith.constant 0 : index
    %get3A_5 = arith.constant 0 : index
    %get3A_6 = vector.load %arg2[%get3A_4, %get3A_5] : memref<4096x64xf32, #tpu.memory_space<vmem>>, vector<4096x64xf32>
    %sub3A = arith.subf %slice3A, %get3A_6 : vector<4096x64xf32>
    %add3A = arith.addf %get3A_6, %sub3A : vector<4096x64xf32>
    %swap3A = arith.constant 0 : index
    %swap3A_7 = arith.constant 0 : index
    %swap3A_8 = vector.load %arg5[%swap3A, %swap3A_7] : memref<4096x64xf32, #tpu.memory_space<vmem>>, vector<4096x64xf32>
    tpu.vector_store %arg5[%swap3A, %swap3A_7], %add3A {strides = array<i32>} : memref<4096x64xf32, #tpu.memory_space<vmem>>, vector<4096x64xf32>,
    %get3A_9 = arith.constant 0 : index
    %get3A_10 = arith.constant 0 : index
    %get3A_11 = memref.load %arg7[%get3A_9, %get3A_10] : memref<1x1xf32, #tpu.memory_space<smem>>
    %mul3A = arith.mulf %sub3A, %sub3A : vector<4096x64xf32>
    %reduce_sum3A = vector.shape_cast %mul3A : vector<4096x64xf32> to vector<1x4096x64xf32>
    %reduce_sum3A_12 = arith.constant dense<0.000000e+00> : vector<1xf32>
    %reduce_sum3A_13 = vector.multi_reduction <add>, %reduce_sum3A, %reduce_sum3A_12 [1, 2] : vector<1x4096x64xf32> to vector<1xf32>
    %reduce_sum3A_14 = vector.shape_cast %reduce_sum3A_13 : vector<1xf32> to vector<1x1x1xf32>
    %reduce_sum3A_15 = vector.extract %reduce_sum3A_14[0, 0, 0] : f32 from vector<1x1x1xf32>
    %add3A_16 = arith.addf %get3A_11, %reduce_sum3A_15 : f32
    %swap3A_17 = arith.constant 0 : index
    %swap3A_18 = arith.constant 0 : index
    %swap3A_19 = memref.load %arg7[%swap3A_17, %swap3A_18] : memref<1x1xf32, #tpu.memory_space<smem>>
    memref.store %add3A_16, %arg7[%swap3A_17, %swap3A_18] : memref<1x1xf32, #tpu.memory_space<smem>>
    %eq3A_20 = arith.constant 3 : i32
    %eq3A_21 = arith.cmpi eq, %arg0, %eq3A_20 : i32
    %convert_element_type3A_22 = arith.extui %eq3A_21 : i1 to i32
    %cond3A_23 = arith.constant 0 : i32
    %cond3A_24 = arith.cmpi ne, %convert_element_type3A_22, %cond3A_23 : i32
    scf.if %cond3A_24 {
      %get3A_25 = arith.constant 0 : index
      %get3A_26 = arith.constant 0 : index
      %get3A_27 = memref.load %arg7[%get3A_25, %get3A_26] : memref<1x1xf32, #tpu.memory_space<smem>>
      %mul3A_28 = arith.constant 9.53674316E-7 : f32
      %mul3A_29 = arith.mulf %get3A_27, %mul3A_28 : f32
      %mul3A_30 = arith.constant 2.500000e-01 : f32
      %mul3A_31 = arith.mulf %mul3A_30, %mul3A_29 : f32
      %add3A_32 = arith.addf %mul3A_29, %mul3A_31 : f32
      %reshape3A = vector.broadcast %add3A_32 : f32 to vector<1x1xf32>
      %swap3A_33 = arith.constant 0 : index
      %swap3A_34 = arith.constant 0 : index
      %swap3A_35 = vector.load %arg4[%swap3A_33, %swap3A_34] : memref<1x1xf32, #tpu.memory_space<vmem>>, vector<1x1xf32>
      tpu.vector_store %arg4[%swap3A_33, %swap3A_34], %reshape3A {strides = array<i32>} : memref<1x1xf32, #tpu.memory_space<vmem>>, vector<1x1xf32>,
      %get3A_36 = arith.constant 0 : index
      %get3A_37 = arith.constant 0 : index
      %get3A_38 = vector.load %arg3[%get3A_36, %get3A_37] : memref<1x1024xf32, #tpu.memory_space<vmem>>, vector<1x1024xf32>
      %mul3A_39 = arith.constant 6.10351563E-5 : f32
      %mul3A_40 = vector.broadcast %mul3A_39 : f32 to vector<1x1024xf32>
      %mul3A_41 = arith.mulf %get3A_38, %mul3A_40 : vector<1x1024xf32>
      %add3A_42 = arith.constant 1.000000e-10 : f32
      %add3A_43 = vector.broadcast %add3A_42 : f32 to vector<1x1024xf32>
      %add3A_44 = arith.addf %mul3A_41, %add3A_43 : vector<1x1024xf32>
      %log3A = math.log %add3A_44 : vector<1x1024xf32>
      %mul3A_45 = arith.mulf %mul3A_41, %log3A : vector<1x1024xf32>
      %reduce_sum3A_46 = vector.shape_cast %mul3A_45 : vector<1x1024xf32> to vector<1x1x1024xf32>
      %reduce_sum3A_47 = arith.constant dense<0.000000e+00> : vector<1xf32>
      %reduce_sum3A_48 = vector.multi_reduction <add>, %reduce_sum3A_46, %reduce_sum3A_47 [1, 2] : vector<1x1x1024xf32> to vector<1xf32>
      %reduce_sum3A_49 = vector.shape_cast %reduce_sum3A_48 : vector<1xf32> to vector<1x1x1xf32>
      %reduce_sum3A_50 = vector.extract %reduce_sum3A_49[0, 0, 0] : f32 from vector<1x1x1xf32>
      %neg3A = arith.constant 0.000000e+00 : f32
      %neg3A_51 = arith.subf %neg3A, %reduce_sum3A_50 : f32
      %exp3A = math.exp %neg3A_51 : f32
      %reshape3A_52 = vector.broadcast %exp3A : f32 to vector<1x1xf32>
      %swap3A_53 = arith.constant 0 : index
      %swap3A_54 = arith.constant 0 : index
      %swap3A_55 = vector.load %arg6[%swap3A_53, %swap3A_54] : memref<1x1xf32, #tpu.memory_space<vmem>>, vector<1x1xf32>
      tpu.vector_store %arg6[%swap3A_53, %swap3A_54], %reshape3A_52 {strides = array<i32>} : memref<1x1xf32, #tpu.memory_space<vmem>>, vector<1x1xf32>,
    } else {
    }
    return
  }
  func.func @transform_0(%arg0: i32) -> (i32, i32) {
    %c0_i32 = arith.constant 0 : i32
    %c0_i32_0 = arith.constant 0 : i32
    return %arg0, %c0_i32 : i32, i32
  }
  func.func @transform_1(%arg0: i32) -> (i32, i32) {
    %c0_i32 = arith.constant 0 : i32
    %c0_i32_0 = arith.constant 0 : i32
    return %arg0, %c0_i32 : i32, i32
  }
  func.func @transform_2(%arg0: i32) -> (i32, i32) {
    %c0_i32 = arith.constant 0 : i32
    %c0_i32_0 = arith.constant 0 : i32
    %c0_i32_1 = arith.constant 0 : i32
    return %c0_i32, %c0_i32_0 : i32, i32
  }
  func.func @transform_3(%arg0: i32) -> (i32, i32) {
    %c0_i32 = arith.constant 0 : i32
    %c0_i32_0 = arith.constant 0 : i32
    %c0_i32_1 = arith.constant 0 : i32
    return %c0_i32, %c0_i32_0 : i32, i32
  }
  func.func @transform_4(%arg0: i32) -> (i32, i32) {
    %c0_i32 = arith.constant 0 : i32
    %c0_i32_0 = arith.constant 0 : i32
    return %arg0, %c0_i32 : i32, i32
  }
  func.func @transform_5(%arg0: i32) -> (i32, i32) {
    %c0_i32 = arith.constant 0 : i32
    %c0_i32_0 = arith.constant 0 : i32
    %c0_i32_1 = arith.constant 0 : i32
    return %c0_i32, %c0_i32_0 : i32, i32
  }
}

</mosaic_0001>

<sc_bundles>
// kernel: kernel.5.cloned.1.call-start
scs
__scs_entry_jumppad:
0x0: {  	(pc) =	sbr.rel $0x88, $3  }
0x1: {  	(tag) =	ssettag $0x0;
	lr =	simm.s32 $0x1  }
0x2: {  	[smem:$0x3F9F] =	sst lr;
	_ =	strace $0xD0000000  }
0x3: {  	_ = 	snop  }
0x4: {  	_ = 	snop  }
0x5: {  	_ = 	snop  }
0x6: {  	_ = 	snop  }
0x7: {  	_ = 	snop  }
__scs_overlays_trampoline_lowered:
0x8: {  	[smem:$0x3FAE] =	sst s0  }
0x9: {  	[smem:$0x3FAF] =	sst s1  }
0xa: {  	[smem:$0x3FB0] =	sst s2  }
0xb: {  	[smem:$0x3FB1] =	sst s3  }
0xc: {  	[smem:$0x3FB2] =	sst s4  }
0xd: {  	[smem:$0x3FB3] =	sst s5  }
0xe: {  	[smem:$0x3FB4] =	sst s6  }
0xf: {  	[smem:$0x3FB5] =	sst s7  }
0x10: {  	[smem:$0x3FB6] =	sst s8  }
0x11: {  	[smem:$0x3FB7] =	sst s9;
	s0 =	simm.s32 @!p0 $0x0  }
0x12: {  	s1 =	sld [smem:$0x3F9D];
	s0 =	simm.s32 @p0 $0x1  }
0x13: {  	[smem:$0x3FB8] =	sst s0;
	s0 =	simm.s32 @!p1 $0x0  }
0x14: {  	s2 =	sld [smem:$0x3F9C];
	s0 =	simm.s32 @p1 $0x1  }
0x15: {  	[smem:$0x3FB9] =	sst s0;
	s0 =	simm.s32 @!p2 $0x0  }
0x16: {  	s3 =	sld [smem:$0x3FDB];
	s0 =	simm.s32 @p2 $0x1  }
0x17: {  	s4 =	simm.s32 $0x1BF5;
	[smem:$0x3FBB] =	sst s0  }
0x18: {  	s0 =	sld [smem:$0x3F9E];
	_ =	swait.ge [sflag:s4], $0x0  }
0x19: {  	s7 =	sld [smem:$0x3F9F]  }
0x1a: {  	s8 =	sadd.s32 $0xFFFFE003, lr  }
0x1b: {  	s9 =	sadd.s32 $0xFFFFFEF7, lr;
	s5 =	simm.s32 $0xFFFFFFFF;
	p2 =	slt.u32 s8, $0xFFFFF086  }
0x1c: {  	p1 =	slt.u32 s9, $0xF7A;
	s5 =	simm.s32 @!p2 $0x0  }
0x1d: {  	s5 =	simm.s32 @p1 $0x1;
	p0 =	seq.s32 s7, s2  }
0x1e: {  	s7 =	smul.u32 @!p0 $0xF7A, s2;
	p2 =	seq.s32 @!p0 s5, $0x0  }
0x1f: {  	s9 =	smul.u32 $0xF7A, s1;
	s8 =	simm.s32 @!p0 $0x1BF5;
	p2 =	por !p2, p0  }
0x20: {  	[sflag:s8] =	ssyncset.s32 @!p0 $0xFFFFF086;
	s6 =	sadd.s32 @!p0 s3, s7;
	s7 =	simm.s32 @!p0 $0x108  }
0x21: {  	s3 =	sadd.s32 s3, s9;
	s6 =	sadd.s32 @!p0 $0x88, s6;
	s7 =	simm.s32 @p2 $0x1082  }
0x22: {  	[simem:s7], [sflag:s8] =	dma.local @!p0 [hbm:s6], $0xF7A  }
0x23: {  	s9 =	sor.u32 $0xD0000000, s2;
	s6 =	simm.s32 $0x108;
	_ =	swait.ge @!p0 [sflag:s8], $0x0  }
0x24: {  	s3 =	sadd.s32 $0x88, s3;
	s6 =	simm.s32 @!p1 $0x1082;
	[sflag:s4] =	ssyncset.s32 $0xFFFFF086  }
0x25: {  	[simem:s6], [sflag:s4] =	dma.local [hbm:s3], $0xF7A  }
0x26: {  	[smem:$0x3F9F] =	sst s1;
	(tag) =	ssettag s2;
	_ =	strace s9  }
0x27: {  	s1 =	sld [smem:$0x3FAF]  }
0x28: {  	s2 =	sld [smem:$0x3FB0]  }
0x29: {  	s4 =	sld [smem:$0x3FB2]  }
0x2a: {  	p0 =	seq.s32 s5, $0x0;
	s5 =	sld [smem:$0x3FB3]  }
0x2b: {  	s6 =	sld [smem:$0x3FB4]  }
0x2c: {  	s7 =	sld [smem:$0x3FB5]  }
0x2d: {  	s3 =	simm.s32 $0x108;
	s8 =	sld [smem:$0x3FB6]  }
0x2e: {  	s3 =	simm.s32 @!p0 $0x1082;
	s9 =	sld [smem:$0x3FB7]  }
0x2f: {  	lr =	sadd.s32 s0, s3;
	s0 =	sld [smem:$0x3FAE]  }
0x30: {  	s3 =	sld [smem:$0x3FB1]  }
0x31: {  	[smem:$0x3FBA] =	sst s10  }
0x32: {  	s10 =	sld [smem:$0x3FB8];
	_ =	sdelay $0x3  }
0x33: {  	p0 =	seq.s32 s10, $0x1;
	s10 =	sld [smem:$0x3FBA];
	_ =	sdelay $0x3  }
0x34: {  	[smem:$0x3FBA] =	sst s10  }
0x35: {  	s10 =	sld [smem:$0x3FB9];
	_ =	sdelay $0x3  }
0x36: {  	p1 =	seq.s32 s10, $0x1;
	s10 =	sld [smem:$0x3FBA];
	_ =	sdelay $0x3  }
0x37: {  	[smem:$0x3FBA] =	sst s10  }
0x38: {  	s10 =	sld [smem:$0x3FBB]  }
0x39: {  	_ = 	snop;
	(pc) =	sbr.ind lr, $3  }
0x3a: {  	_ = 	snop  }
0x3b: {  	_ = 	snop  }
0x3c: {  	p2 =	seq.s32 s10, $0x1;
	s10 =	sld [smem:$0x3FBA]  }
0x3d: {  	_ =	shalt  }
0x3e: {  	_ =	shalt  }
0x3f: {  	_ =	shalt  }
0x40: {  	_ =	shalt  }
0x41: {  	_ =	shalt  }
0x42: {  	_ =	shalt  }
0x43: {  	_ =	shalt  }
0x44: {  	_ =	shalt  }
0x45: {  	_ =	shalt  }
0x46: {  	_ =	shalt  }
0x47: {  	_ =	shalt  }
0x48: {  	_ =	shalt  }
0x49: {  	_ =	shalt  }
0x4a: {  	_ =	shalt  }
0x4b: {  	_ =	shalt  }
0x4c: {  	_ =	shalt  }
0x4d: {  	_ =	shalt  }
0x4e: {  	_ =	shalt  }
0x4f: {  	_ =	shalt  }
0x50: {  	_ =	shalt  }
0x51: {  	_ =	shalt  }
0x52: {  	_ =	shalt  }
0x53: {  	_ =	shalt  }
0x54: {  	_ =	shalt  }
0x55: {  	_ =	shalt  }
0x56: {  	_ =	shalt  }
0x57: {  	_ =	shalt  }
0x58: {  	_ =	shalt  }
0x59: {  	_ =	shalt  }
0x5a: {  	_ =	shalt  }
0x5b: {  	_ =	shalt  }
0x5c: {  	_ =	shalt  }
0x5d: {  	_ =	shalt  }
0x5e: {  	_ =	shalt  }
0x5f: {  	_ =	shalt  }
0x60: {  	_ =	shalt  }
0x61: {  	_ =	shalt  }
0x62: {  	_ =	shalt  }
0x63: {  	_ =	shalt  }
0x64: {  	_ =	shalt  }
0x65: {  	_ =	shalt  }
0x66: {  	_ =	shalt  }
0x67: {  	_ =	shalt  }
0x68: {  	_ =	shalt  }
0x69: {  	_ =	shalt  }
0x6a: {  	_ =	shalt  }
0x6b: {  	_ =	shalt  }
0x6c: {  	_ =	shalt  }
0x6d: {  	_ =	shalt  }
0x6e: {  	_ =	shalt  }
0x6f: {  	_ =	shalt  }
0x70: {  	_ =	shalt  }
0x71: {  	_ =	shalt  }
0x72: {  	_ =	shalt  }
0x73: {  	_ =	shalt  }
0x74: {  	_ =	shalt  }
0x75: {  	_ =	shalt  }
0x76: {  	_ =	shalt  }
0x77: {  	_ =	shalt  }
0x78: {  	_ =	shalt  }
0x79: {  	_ =	shalt  }
0x7a: {  	_ =	shalt  }
0x7b: {  	_ =	shalt  }
0x7c: {  	_ =	shalt  }
0x7d: {  	_ =	shalt  }
0x7e: {  	_ =	shalt  }
0x7f: {  	_ =	shalt  }
0x80: {  	_ =	shalt  }
0x81: {  	_ =	shalt  }
0x82: {  	_ =	shalt  }
0x83: {  	_ =	shalt  }
0x84: {  	_ =	shalt  }
0x85: {  	_ =	shalt  }
0x86: {  	_ =	shalt  }
0x87: {  	_ =	shalt  }
.Lfunc_end0:
.L_simem_size_0:
called_computation_lowered:
.L_overlay_start_0:
0x88: {  	s2 =	sld [smem:$0x3FD9]  }
0x89: {  	s3 =	sld [smem:$0x3FFE];
	_ =	sdelay $0x1  }
0x8a: {  	s1 =	srdreg.scid  }
0x8b: {  	s0 =	sand.u32 $0x1, s1  }
0x8c: {  	s14 =	sshll.u32 s0, $0xA;
	s2 =	sadd.s32 s3, s2  }
0x8d: {  	s2 =	sadd.s32 s2, s14  }
0x8e: {  	[smem:$0x3FC6] =	sst s2  }
0x8f: {  	_ = 	snop  }
0x90: {  	s2 =	sld [smem:$0x3FD0];
	_ =	sdelay $0x2  }
0x91: {  	s15 =	simm.s32 $0xA;
	s4 =	simm.s32 $0x10  }
0x92: {  	[smem:s4], [sflag:s15] =	dma.local [hbm:s2], $0x1  }
0x93: {  	_ =	swait.eq [sflag:s15], $0x1  }
0x94: {  	[sflag:s15] =	ssyncset.done $0x0  }
0x95: {  	[sflag:s15] =	ssyncadd.s32 $0xFFFFFFFF  }
0x96: {  	s16 =	sld [smem:$0x11];
	(tm) =	ssettm $0x1  }
0x97: {  	s17 =	sld [smem:$0x3FFB];
	_ =	sdelay $0x3  }
0x98: {  	_ =	strace s17  }
0x99: {  	s3 =	sld [smem:$0x3FFC];
	_ =	sdelay $0x3  }
0x9a: {  	_ =	strace s3  }
0x9b: {  	s3 =	sld [smem:$0x3FFD];
	_ =	sdelay $0x3  }
0x9c: {  	_ =	strace s3  }
0x9d: {  	_ =	strace $0x8FFFFFFF  }
0x9e: {  	s18 =	sld [smem:$0x3FDB];
	_ =	sdelay $0x1  }
0x9f: {  	s19 =	simm.s32 $_scs_section_size  }
0xa0: {  	s5 =	simm.s32 $_size__tile_overlayer_lowered;
	s6 =	simm.s32 $_tile_overlayer_lowered  }
0xa1: {  	s22 =	simm.s32 $0x1BFF;
	s21 =	sshll.u32 s6, $0x1;
	s3 =	sadd.s32 s19, s18  }
0xa2: {  	s7 =	simm.s32 $0x0;
	s20 =	sshll.u32 s5, $0x1;
	s5 =	sadd.s32 s21, s3  }
0xa3: {  	[timem:s7], [sflag:s22] =	dma.local [hbm:s5], s20  }
0xa4: {  	_ =	swait.ge [sflag:s22], s20  }
0xa5: {  	s4 =	ssub.s32 $0x0, s20;
	[sflag:s22] =	ssyncset.done $0x0  }
0xa6: {  	[sflag:s22] =	ssyncadd.s32 s4;
	_ =	sdelay $0x1  }
0xa7: {  	s23 =	simm.s32 $0x1B8B  }
0xa8: {  	_ =	swait.ge [sflag:s23], $0x1  }
0xa9: {  	[sflag:s23] =	ssyncset.done $0x0  }
0xaa: {  	s25 =	simm.s32 $0x1B8E;
	s24 =	sld [smem:$0x3FFE];
	[sflag:s23] =	ssyncadd.s32 $0xFFFFFFFF  }
0xab: {  	s26 =	simm.s32 $execute0_lowered;
	[smem:$0x3FD2] =	sst s25  }
0xac: {  	s5 =	sshll.u32 s26, $0x1;
	_ =	strace $0x80000046;
	[dreg:$0x1] =	wrdreg $0xFFFFFFFF  }
0xad: {  	s28 =	simm.s32 $_size_execute0_lowered;
	s3 =	sadd.s32 s3, s5;
	[dreg:$0x0] =	wrdreg $0x0  }
0xae: {  	s5 =	sshll.u32 s28, $0x1;
	[dreg:$0x2] =	wrdreg s3  }
0xaf: {  	[dreg:$0x3] =	wrdreg s5  }
0xb0: {  	[dreg:$0x4] =	wrdreg $0xC0  }
0xb1: {  	_ =	task [dreg:s7], $0x5FFFF  }
0xb2: {  	[dreg:$0x1] =	wrdreg $0xFFFFFFFF  }
0xb3: {  	[dreg:$0x0] =	wrdreg $0x60  }
0xb4: {  	[dreg:$0x2] =	wrdreg s16  }
0xb5: {  	[dreg:$0x3] =	wrdreg s24  }
0xb6: {  	[dreg:$0x4] =	wrdreg $0x9  }
0xb7: {  	_ =	task.clear_ibuf [dreg:s7], $0x5FFFF;
	_ =	strace $0x90000046  }
0xb8: {  	s29 =	simm.s32 $0x9;
	_ =	strace $0x80000048  }
0xb9: {  	_ =	swait.ge [sflag:s29], $0x1  }
0xba: {  	[sflag:s29] =	ssyncadd.s32 $0xFFFFFFFF  }
0xbb: {  	_ =	strace $0x90000048  }
0xbc: {  	_ =	sfence  }
0xbd: {  	s30 =	sld [smem:$0x0];
	_ =	sdelay $0x2  }
0xbe: {  	s31 =	sshll.u32 s1, $0xD;
	s1 =	sshrl.u32 s1, $0x2  }
0xbf: {  	s3 =	sand.u32 $0x4000, s31;
	s1 =	sadd.s32 s1, s30  }
0xc0: {  	s0 =	sor.u32 s3, s0;
	s1 =	sshll.u32 s1, $0x11  }
0xc1: {  	s0 =	sor.u32 s1, s0  }
0xc2: {  	s0 =	sadd.s32 $0x8F2B, s0  }
0xc3: {  	[sflag:s0] =	ssyncadd.remote.s32 $0x1  }
0xc4: {  	_ =	sfence.sel $0xFFFF  }
0xc5: {  	[dreg:$0x0] =	wrdreg $0xFFFFFFFF;
	(pc) =	sbr.abs _section_cstart, $3  }
0xc6: {  	[dreg:$0x1] =	wrdreg $0xFFFFFFFF  }
0xc7: {  	_ =	task.clear_ibuf [dreg:s7], $0x2FFFF;
	_ =	strace $0x9FFFFFFF  }
0xc8: {  	(tm) =	ssettm $0x7FFFFFFF  }
0xc9: {  	_ =	shalt  }
tec
execute0_lowered:
.L_overlay_start_1:
0x0: {  	(tag) =	ssettag $0x1  }
0x1: {  	s1 =	srdreg.scid  }
0x2: {  	s0 =	stileid.u32;
	s14 =	sand.u32 $0x1, s1  }
0x3: {  	s2 =	rddreg [dreg:$0x0];
	s29 =	sshll.u32 s0, $0xA;
	s3 =	sshll.u32 s14, $0x9  }
0x4: {  	s15 =	rddreg [dreg:$0x1];
	s16 =	sor.u32 s3, s29  }
0x5: {  	s1 =	rddreg [dreg:$0x2];
	s3 =	simm.s32 $0x0;
	s4 =	sshrl.u32 s16, $0x3  }
0x6: {  	[smem:$0x7FF] =	sst s3;
	s4 =	sadd.s32 s4, s15  }
0x7: {  	_ =	strace $0x80000047;
	s5 =	sadd.s32 $0x40000, s4;
	s4 =	simm.s32 $0x2  }
0x8: {  	[tilespmem:s3], [sflag:$0x2] =	stream.linear.gather [hbm4b:s5+s3], $0x200, $0x38;
	[tilespmem:$0x10200] =	vst v63  }
0x9: {  	_ =	swait.ge [sflag:s4], $0x200  }
0xa: {  	[sflag:s4] =	ssyncset.done $0x0  }
0xb: {  	s6 =	simm.s32 $0x80;
	s7 =	simm.s32 $0x200;
	[sflag:s4] =	ssyncadd.s32 $0xFFFFFE00  }
0xc: {  	[tilespmem:s7], [sflag:$0x1] =	stream.indirect.gather [hbm4b:s2+s6], $0x80, s3, s6, $0xb8;
	[tilespmem:$0x10200] =	vst v63  }
0xd: {  	s8 =	simm.s32 $0x4200  }
0xe: {  	[tilespmem:s8], [sflag:$0x1] =	stream.indirect.gather [hbm4b:s2+s6], $0x80, s6, s6, $0xb8;
	[tilespmem:$0x10200] =	vst v63  }
0xf: {  	s9 =	simm.s32 $0x100;
	s10 =	simm.s32 $0x8200  }
0x10: {  	[tilespmem:s10], [sflag:$0x1] =	stream.indirect.gather [hbm4b:s2+s6], $0x80, s9, s6, $0xb8;
	[tilespmem:$0x10200] =	vst v63  }
0x11: {  	s11 =	simm.s32 $0x180;
	s12 =	simm.s32 $0xC200;
	s13 =	simm.s32 $0x1  }
0x12: {  	[tilespmem:s12], [sflag:$0x1] =	stream.indirect.gather [hbm4b:s2+s6], $0x80, s11, s6, $0xb8;
	[tilespmem:$0x10200] =	vst v63  }
0x13: {  	_ =	swait.ge [sflag:s13], $0x4000  }
0x14: {  	[sflag:s13] =	ssyncset.done $0x0  }
0x15: {  	[sflag:s13] =	ssyncadd.s32 $0xFFFFC000  }
0x16: {  	_ =	swait.ge [sflag:s13], $0x4000  }
0x17: {  	[sflag:s13] =	ssyncset.done $0x0  }
0x18: {  	s14 =	ssub.s32 $0x2, s14;
	[sflag:s13] =	ssyncadd.s32 $0xFFFFC000  }
0x19: {  	s17 =	sshrl.u32 s14, $0x1;
	_ =	swait.ge [sflag:s13], $0x4000  }
0x1a: {  	s30 =	ssub.s32 s14, s17;
	[sflag:s13] =	ssyncset.done $0x0  }
0x1b: {  	s31 =	smax.u32 s30, $0x1;
	[sflag:s13] =	ssyncadd.s32 $0xFFFFC000  }
0x1c: {  	s16 =	sshll.u32 s16, $0x4;
	p0 =	sne.s32 s31, $0x1;
	_ =	swait.ge [sflag:s13], $0x4000  }
.Ltmp0:
0x1d: {  	s15 =	sadd.s32 s16, s15;
	[sflag:s13] =	ssyncset.done $0x0;
	(pc) =	sbr.rel @!p0 .LBB2_2-.Ltmp0, $4  }
0x1e: {  	s14 =	sadd.s32 $0x40800, s15;
	[sflag:s13] =	ssyncadd.s32 $0xFFFFC000  }
0x1f: {  	[hbm4b:s14+s3] =	stream.linear.scatter [tilespmem:s7], [sflag:$0x2], $0x10000, $0x38;
	[tilespmem:$0x10200] =	vst v63  }
0x20: {  	_ =	swait.ge [sflag:s4], $0x10000  }
0x21: {  	s15 =	sadd.s32 $0xFFFFFFFF, s31;
	[sflag:s4] =	ssyncset.done $0x0  }
.LBB2_1:
0x22: {  	p0 =	sne.s32 s15, $0x1;
	s15 =	sadd.s32 $0xFFFFFFFF, s15;
	[sflag:s4] =	ssyncadd.s32 $0xFFFF0000  }
0x23: {  	[tilespmem:s3], [sflag:$0x2] =	stream.linear.gather [hbm4b:s5+s3], $0x200, $0x38;
	[tilespmem:$0x10200] =	vst v63  }
0x24: {  	_ =	swait.ge [sflag:s4], $0x200  }
0x25: {  	[sflag:s4] =	ssyncset.done $0x0  }
0x26: {  	[sflag:s4] =	ssyncadd.s32 $0xFFFFFE00  }
0x27: {  	[tilespmem:s7], [sflag:$0x1] =	stream.indirect.gather [hbm4b:s2+s6], $0x80, s3, s6, $0xb8;
	[tilespmem:$0x10200] =	vst v63  }
0x28: {  	_ = 	snop  }
0x29: {  	[tilespmem:s8], [sflag:$0x1] =	stream.indirect.gather [hbm4b:s2+s6], $0x80, s6, s6, $0xb8;
	[tilespmem:$0x10200] =	vst v63  }
0x2a: {  	_ = 	snop  }
0x2b: {  	[tilespmem:s10], [sflag:$0x1] =	stream.indirect.gather [hbm4b:s2+s6], $0x80, s9, s6, $0xb8;
	[tilespmem:$0x10200] =	vst v63  }
0x2c: {  	_ = 	snop  }
0x2d: {  	[tilespmem:s12], [sflag:$0x1] =	stream.indirect.gather [hbm4b:s2+s6], $0x80, s11, s6, $0xb8;
	[tilespmem:$0x10200] =	vst v63  }
0x2e: {  	_ =	swait.ge [sflag:s13], $0x4000  }
0x2f: {  	[sflag:s13] =	ssyncset.done $0x0  }
0x30: {  	[sflag:s13] =	ssyncadd.s32 $0xFFFFC000  }
0x31: {  	_ =	swait.ge [sflag:s13], $0x4000  }
0x32: {  	[sflag:s13] =	ssyncset.done $0x0  }
0x33: {  	[sflag:s13] =	ssyncadd.s32 $0xFFFFC000  }
0x34: {  	_ =	swait.ge [sflag:s13], $0x4000  }
0x35: {  	[sflag:s13] =	ssyncset.done $0x0  }
0x36: {  	[sflag:s13] =	ssyncadd.s32 $0xFFFFC000  }
0x37: {  	_ =	swait.ge [sflag:s13], $0x4000  }
.Ltmp1:
0x38: {  	[sflag:s13] =	ssyncset.done $0x0;
	(pc) =	sbr.rel @p0 .LBB2_1-.Ltmp1, $4  }
0x39: {  	[sflag:s13] =	ssyncadd.s32 $0xFFFFC000  }
0x3a: {  	[hbm4b:s14+s3] =	stream.linear.scatter [tilespmem:s7], [sflag:$0x2], $0x10000, $0x38;
	[tilespmem:$0x10200] =	vst v63  }
0x3b: {  	_ =	swait.ge [sflag:s4], $0x10000  }
0x3c: {  	[sflag:s4] =	ssyncset.done $0x0  }
.LBB2_2:
0x3d: {  	[sflag:s4] =	ssyncadd.s32 $0xFFFF0000  }
0x3e: {  	_ =	sfence.sel $0x180000  }
0x3f: {  	[bflag:$0x0] =	sbarrier.arrive $0xFFFF  }
0x40: {  	p0 =	sne.s32 s0, $0x0;
	_ =	strace $0x90000047  }
0x41: {  	s0 =	sadd.s32 @!p0 $0x100000, s1;
	[bflag:$0x2] =	sbarrier.arrive $0xFFFF  }
0x42: {  	[sflag:s0] =	ssyncadd.tile.s32 @!p0 $0x1;
	_ =	shalt  }
.Lfunc_end2:
_tile_overlayer_lowered:
.L_overlay_start_2:
0x43: {  	(tag) =	ssettag $0x2  }
0x44: {  	s0 =	rddreg [dreg:$0x0];
	s2 =	stileid.u32  }
0x45: {  	s1 =	rddreg [dreg:$0x1];
	p0 =	sne.s32 s2, $0x0  }
0x46: {  	s3 =	rddreg [dreg:$0x2];
	[bflag:$0x3] =	sbarrier.arrive $0xFFFF;
	s2 =	simm.s32 @!p0 $0x1C02  }
0x47: {  	[timem:s3], [sflag:s2] =	dma.local @!p0 [hbm:s0], s1  }
0x48: {  	s0 =	simm.s32 @!p0 $0x2  }
0x49: {  	_ =	swait.ge @!p0 [sflag:s0], s1  }
0x4a: {  	s1 =	ssub.s32 @!p0 $0x0, s1;
	[sflag:s0] =	ssyncset.done @!p0 $0x0  }
0x4b: {  	[sflag:s0] =	ssyncadd.s32 @!p0 s1  }
0x4c: {  	[bflag:$0x3] =	sbarrier.arrive $0xFFFF  }
0x4d: {  	_ =	shalt  }

</sc_bundles>
